<compile_context>
chip_gen: v7x
topology: tpu7x:2x2x1
jax: 0.10.2.dev20260603
libtpu: 0.0.44.dev20260713+nightly
codegen_flags: <defaults>
</compile_context>

<pallas_src>
import functools

import jax
import jax.numpy as jnp
from jax import lax
from jax.experimental import pallas as pl
from jax.experimental.pallas import tpu as pltpu
from jax.experimental.pallas import tpu_sc as plsc

B = 16384
LBAG = 200
V = 100
D = 32

NC = 2
NS = 16
NW = NC * NS
BW = B // NW
CB = 256
NCHUNK = BW // CB

_mesh = plsc.VectorSubcoreMesh(core_axis_name="c", subcore_axis_name="s")


@functools.partial(
    pl.kernel,
    mesh=_mesh,
    out_type=jax.ShapeDtypeStruct((B * V,), jnp.float32),
    compiler_params=pltpu.CompilerParams(needs_layout_passes=False),
    scratch_types=[
        pltpu.VMEM((CB * LBAG + 16,), jnp.int32),
        pltpu.VMEM((CB * V,), jnp.float32),
    ],
)
def _hist(x_hbm, counts_hbm, xv, cv):
    wid = lax.axis_index("s") * NC + lax.axis_index("c")
    iot = lax.iota(jnp.int32, 16)
    mask8 = iot < 8
    ones = jnp.ones((16,), jnp.float32)

    for chunk in range(NCHUNK):
        bag0 = wid * BW + chunk * CB
        pltpu.sync_copy(
            x_hbm.at[pl.ds(bag0 * LBAG, CB * LBAG)],
            xv.at[pl.ds(0, CB * LBAG)],
        )

        def zbody(j, carry):
            cv[pl.ds(j * 16, 16)] = jnp.zeros((16,), jnp.float32)
            return carry

        lax.fori_loop(0, CB * V // 16, zbody, 0)

        def bag_body(bag, carry):
            xoff = bag * LBAG
            dbase = bag * V
            for i in range(12):
                xvec = xv[pl.ds(xoff + i * 16, 16)]
                plsc.addupdate_scatter(cv, [xvec + dbase], ones)
            xvec = xv[pl.ds(xoff + 192, 16)]
            plsc.addupdate_scatter(cv, [xvec + dbase], ones, mask=mask8)
            return carry

        lax.fori_loop(0, CB, bag_body, 0)

        pltpu.sync_copy(cv, counts_hbm.at[pl.ds(bag0 * V, CB * V)])


def _matmul(counts, weight):
    BM = 1024

    def body(c_ref, w_ref, o_ref):
        o_ref[...] = jnp.dot(
            c_ref[...], w_ref[...], preferred_element_type=jnp.float32
        )

    return pl.pallas_call(
        body,
        grid=(B // BM,),
        in_specs=[
            pl.BlockSpec((BM, V), lambda i: (i, 0)),
            pl.BlockSpec((V, D), lambda i: (0, 0)),
        ],
        out_specs=pl.BlockSpec((BM, D), lambda i: (i, 0)),
        out_shape=jax.ShapeDtypeStruct((B, D), jnp.float32),
    )(counts, weight)


def kernel(x, weight):
    x_flat = x.astype(jnp.int32).reshape(-1)
    counts = _hist(x_flat).reshape(B, V)
    return _matmul(counts, weight)

# --- scband reference (transcript-rebuilt; emitter-appended) ---
"""Pipeline reference for scband-my-model-61933428410636 (READ-ONLY COPY).

The authoritative reference and input builder live on the scoring server;
editing this copy changes nothing except your own understanding.
"""

import jax, jax.numpy as jnp
import numpy as np


def setup_inputs(seed: int = 0) -> dict:
    key = jax.random.key(seed)
    k_idx, k_w = jax.random.split(key)
    x = jax.random.randint(k_idx, (16384, 200), 0, 100, dtype=jnp.int64)
    # nn.EmbeddingBag default weight init: N(0, 1)
    weight = jax.random.normal(k_w, (100, 32), dtype=jnp.float32)
    return {"x": x, "weight": weight}


def reference(x, weight):
    # torch.nn.EmbeddingBag(mode='sum') with 2D input: gather then sum over bag dim
    gathered = jnp.take(weight, x, axis=0)  # [B, L, D]
    out = jnp.sum(gathered, axis=1)         # [B, D]
    return out

if __name__ == "__main__":
    import jax
    _d = setup_inputs()
    print(jax.jit(kernel)(*tuple(_d.values())))

</pallas_src>

<mosaic_0001>
#map = affine_map<(d0, d1) -> (0)>
module attributes {stable_mosaic.version = 14 : i64} {
  func.func @_hist(%arg0: i32, %arg1: i32, %arg2: memref<3276800xi32, #tpu.memory_space<hbm>>, %arg3: memref<1638400xf32, #tpu.memory_space<hbm>>, %arg4: memref<51216xi32, #tpu.memory_space<vmem>>, %arg5: memref<25600xf32, #tpu.memory_space<vmem>>) attributes {dimension_semantics = [#tpu.dimension_semantics<core_parallel>, #tpu.dimension_semantics<subcore_parallel>], iteration_bounds = array<i64: 2, 16>, scalar_prefetch = 0 : i64, scratch_operands = 2 : i64, tpu.core_type = #tpu.core_type<sc_vector_subcore>, window_params = [{transform_indices = #map}, {transform_indices = #map}]} {
    %mul3A = arith.constant 2 : i32
    %mul3A_0 = arith.muli %arg1, %mul3A : i32
    %add3A = arith.addi %mul3A_0, %arg0 : i32
    %iota3A = tpu.iota {dimensions = array<i32: 0>} : vector<16xi32>
    %lt3A = arith.constant 8 : i32
    %lt3A_1 = vector.broadcast %lt3A : i32 to vector<16xi32>
    %lt3A_2 = arith.cmpi slt, %iota3A, %lt3A_1 : vector<16xi32>
    %broadcast_in_dim3A = arith.constant 1.000000e+00 : f32
    %broadcast_in_dim3A_3 = vector.broadcast %broadcast_in_dim3A : f32 to vector<16xf32>
    %mul3A_4 = arith.constant 512 : i32
    %mul3A_5 = arith.muli %add3A, %mul3A_4 : i32
    %add3A_6 = arith.constant 0 : i32
    %add3A_7 = arith.addi %mul3A_5, %add3A_6 : i32
    %mul3A_8 = arith.constant 200 : i32
    %mul3A_9 = arith.muli %add3A_7, %mul3A_8 : i32
    "tpu.region"() ({
      %run_scoped3A = tpu.sem_alloc : memref<!tpu.dma_semaphore, #tpu.memory_space<semaphore_mem>>
      %dma_start3A = arith.constant 0 : i32
      %dma_start3A_43 = tpu.memref_slice %arg4[%dma_start3A] : memref<51216xi32, #tpu.memory_space<vmem>> -> memref<51200xi32, #tpu.memory_space<vmem>>
      %dma_start3A_44 = tpu.memref_slice %arg2[%mul3A_9] : memref<3276800xi32, #tpu.memory_space<hbm>> -> memref<51200xi32, #tpu.memory_space<hbm>>
      %dma_start3A_45 = arith.constant 0 : i32
      %dma_start3A_46 = tpu.memref_slice %arg4[%dma_start3A_45] : memref<51216xi32, #tpu.memory_space<vmem>> -> memref<51200xi32, #tpu.memory_space<vmem>>
      %dma_start3A_47 = tpu.memref_slice %arg2[%mul3A_9] : memref<3276800xi32, #tpu.memory_space<hbm>> -> memref<51200xi32, #tpu.memory_space<hbm>>
      tpu.enqueue_dma source(%dma_start3A_47 : memref<51200xi32, #tpu.memory_space<hbm>>) target(%dma_start3A_46 : memref<51200xi32, #tpu.memory_space<vmem>>) target_semaphore(%run_scoped3A : memref<!tpu.dma_semaphore, #tpu.memory_space<semaphore_mem>>)
      %dma_wait3A = arith.constant 0 : i32
      %dma_wait3A_48 = tpu.memref_slice %arg4[%dma_wait3A] : memref<51216xi32, #tpu.memory_space<vmem>> -> memref<51200xi32, #tpu.memory_space<vmem>>
      %dma_wait3A_49 = tpu.memref_slice %arg2[%mul3A_9] : memref<3276800xi32, #tpu.memory_space<hbm>> -> memref<51200xi32, #tpu.memory_space<hbm>>
      %dma_wait3A_50 = arith.constant 0 : i32
      %dma_wait3A_51 = tpu.memref_slice %arg4[%dma_wait3A_50] : memref<51216xi32, #tpu.memory_space<vmem>> -> memref<51200xi32, #tpu.memory_space<vmem>>
      %dma_wait3A_52 = tpu.memref_slice %arg2[%mul3A_9] : memref<3276800xi32, #tpu.memory_space<hbm>> -> memref<51200xi32, #tpu.memory_space<hbm>>
      tpu.wait_dma2 semaphore(%run_scoped3A : memref<!tpu.dma_semaphore, #tpu.memory_space<semaphore_mem>>) src(%dma_wait3A_52 : memref<51200xi32, #tpu.memory_space<hbm>>) dst(%dma_wait3A_51 : memref<51200xi32, #tpu.memory_space<vmem>>)
      tpu.yield
    }) : () -> ()
    %scan3A = arith.constant 0 : i32
    %scan3A_10 = arith.constant 0 : i32
    %scan3A_11 = arith.constant 1600 : i32
    %scan3A_12 = arith.addi %scan3A_10, %scan3A_11 : i32
    %scan3A_13 = arith.constant 1 : i32
    scf.for %scan3A_43 = %scan3A_10 to %scan3A_12 step %scan3A_13  : i32 {
      %broadcast_in_dim3A_44 = arith.constant 0.000000e+00 : f32
      %broadcast_in_dim3A_45 = vector.broadcast %broadcast_in_dim3A_44 : f32 to vector<16xf32>
      %mul3A_46 = arith.constant 16 : i32
      %mul3A_47 = arith.muli %scan3A_43, %mul3A_46 : i32
      %swap3A = arith.index_cast %mul3A_47 : i32 to index
      %swap3A_48 = tpu.vector_load %arg5[%swap3A] {strides = array<i32>} : memref<25600xf32, #tpu.memory_space<vmem>>, vector<16xf32>,
      tpu.vector_store %arg5[%swap3A], %broadcast_in_dim3A_45 {strides = array<i32>} : memref<25600xf32, #tpu.memory_space<vmem>>, vector<16xf32>,
    }
    %scan3A_14 = arith.constant 1600 : i32
    %scan3A_15 = arith.constant 0 : i32
    %scan3A_16 = arith.constant 0 : i32
    %scan3A_17 = arith.constant 256 : i32
    %scan3A_18 = arith.addi %scan3A_16, %scan3A_17 : i32
    %scan3A_19 = arith.constant 1 : i32
    scf.for %scan3A_43 = %scan3A_16 to %scan3A_18 step %scan3A_19  : i32 {
      %mul3A_44 = arith.constant 200 : i32
      %mul3A_45 = arith.muli %scan3A_43, %mul3A_44 : i32
      %mul3A_46 = arith.constant 100 : i32
      %mul3A_47 = arith.muli %scan3A_43, %mul3A_46 : i32
      %add3A_48 = arith.constant 0 : i32
      %add3A_49 = arith.addi %mul3A_45, %add3A_48 : i32
      %get3A = arith.index_cast %add3A_49 : i32 to index
      %get3A_50 = tpu.vector_load %arg4[%get3A] {strides = array<i32>} : memref<51216xi32, #tpu.memory_space<vmem>>, vector<16xi32>,
      %add3A_51 = vector.broadcast %mul3A_47 : i32 to vector<16xi32>
      %add3A_52 = arith.addi %get3A_50, %add3A_51 : vector<16xi32>
      tpu.vector_store_idx %arg5[%add3A_52], %broadcast_in_dim3A_3 {add = true} : memref<25600xf32, #tpu.memory_space<vmem>>[vector<16xi32>], vector<16xf32>,
      %add3A_53 = arith.constant 16 : i32
      %add3A_54 = arith.addi %mul3A_45, %add3A_53 : i32
      %get3A_55 = arith.index_cast %add3A_54 : i32 to index
      %get3A_56 = tpu.vector_load %arg4[%get3A_55] {strides = array<i32>} : memref<51216xi32, #tpu.memory_space<vmem>>, vector<16xi32>,
      %add3A_57 = vector.broadcast %mul3A_47 : i32 to vector<16xi32>
      %add3A_58 = arith.addi %get3A_56, %add3A_57 : vector<16xi32>
      tpu.vector_store_idx %arg5[%add3A_58], %broadcast_in_dim3A_3 {add = true} : memref<25600xf32, #tpu.memory_space<vmem>>[vector<16xi32>], vector<16xf32>,
      %add3A_59 = arith.constant 32 : i32
      %add3A_60 = arith.addi %mul3A_45, %add3A_59 : i32
      %get3A_61 = arith.index_cast %add3A_60 : i32 to index
      %get3A_62 = tpu.vector_load %arg4[%get3A_61] {strides = array<i32>} : memref<51216xi32, #tpu.memory_space<vmem>>, vector<16xi32>,
      %add3A_63 = vector.broadcast %mul3A_47 : i32 to vector<16xi32>
      %add3A_64 = arith.addi %get3A_62, %add3A_63 : vector<16xi32>
      tpu.vector_store_idx %arg5[%add3A_64], %broadcast_in_dim3A_3 {add = true} : memref<25600xf32, #tpu.memory_space<vmem>>[vector<16xi32>], vector<16xf32>,
      %add3A_65 = arith.constant 48 : i32
      %add3A_66 = arith.addi %mul3A_45, %add3A_65 : i32
      %get3A_67 = arith.index_cast %add3A_66 : i32 to index
      %get3A_68 = tpu.vector_load %arg4[%get3A_67] {strides = array<i32>} : memref<51216xi32, #tpu.memory_space<vmem>>, vector<16xi32>,
      %add3A_69 = vector.broadcast %mul3A_47 : i32 to vector<16xi32>
      %add3A_70 = arith.addi %get3A_68, %add3A_69 : vector<16xi32>
      tpu.vector_store_idx %arg5[%add3A_70], %broadcast_in_dim3A_3 {add = true} : memref<25600xf32, #tpu.memory_space<vmem>>[vector<16xi32>], vector<16xf32>,
      %add3A_71 = arith.constant 64 : i32
      %add3A_72 = arith.addi %mul3A_45, %add3A_71 : i32
      %get3A_73 = arith.index_cast %add3A_72 : i32 to index
      %get3A_74 = tpu.vector_load %arg4[%get3A_73] {strides = array<i32>} : memref<51216xi32, #tpu.memory_space<vmem>>, vector<16xi32>,
      %add3A_75 = vector.broadcast %mul3A_47 : i32 to vector<16xi32>
      %add3A_76 = arith.addi %get3A_74, %add3A_75 : vector<16xi32>
      tpu.vector_store_idx %arg5[%add3A_76], %broadcast_in_dim3A_3 {add = true} : memref<25600xf32, #tpu.memory_space<vmem>>[vector<16xi32>], vector<16xf32>,
      %add3A_77 = arith.constant 80 : i32
      %add3A_78 = arith.addi %mul3A_45, %add3A_77 : i32
      %get3A_79 = arith.index_cast %add3A_78 : i32 to index
      %get3A_80 = tpu.vector_load %arg4[%get3A_79] {strides = array<i32>} : memref<51216xi32, #tpu.memory_space<vmem>>, vector<16xi32>,
      %add3A_81 = vector.broadcast %mul3A_47 : i32 to vector<16xi32>
      %add3A_82 = arith.addi %get3A_80, %add3A_81 : vector<16xi32>
      tpu.vector_store_idx %arg5[%add3A_82], %broadcast_in_dim3A_3 {add = true} : memref<25600xf32, #tpu.memory_space<vmem>>[vector<16xi32>], vector<16xf32>,
      %add3A_83 = arith.constant 96 : i32
      %add3A_84 = arith.addi %mul3A_45, %add3A_83 : i32
      %get3A_85 = arith.index_cast %add3A_84 : i32 to index
      %get3A_86 = tpu.vector_load %arg4[%get3A_85] {strides = array<i32>} : memref<51216xi32, #tpu.memory_space<vmem>>, vector<16xi32>,
      %add3A_87 = vector.broadcast %mul3A_47 : i32 to vector<16xi32>
      %add3A_88 = arith.addi %get3A_86, %add3A_87 : vector<16xi32>
      tpu.vector_store_idx %arg5[%add3A_88], %broadcast_in_dim3A_3 {add = true} : memref<25600xf32, #tpu.memory_space<vmem>>[vector<16xi32>], vector<16xf32>,
      %add3A_89 = arith.constant 112 : i32
      %add3A_90 = arith.addi %mul3A_45, %add3A_89 : i32
      %get3A_91 = arith.index_cast %add3A_90 : i32 to index
      %get3A_92 = tpu.vector_load %arg4[%get3A_91] {strides = array<i32>} : memref<51216xi32, #tpu.memory_space<vmem>>, vector<16xi32>,
      %add3A_93 = vector.broadcast %mul3A_47 : i32 to vector<16xi32>
      %add3A_94 = arith.addi %get3A_92, %add3A_93 : vector<16xi32>
      tpu.vector_store_idx %arg5[%add3A_94], %broadcast_in_dim3A_3 {add = true} : memref<25600xf32, #tpu.memory_space<vmem>>[vector<16xi32>], vector<16xf32>,
      %add3A_95 = arith.constant 128 : i32
      %add3A_96 = arith.addi %mul3A_45, %add3A_95 : i32
      %get3A_97 = arith.index_cast %add3A_96 : i32 to index
      %get3A_98 = tpu.vector_load %arg4[%get3A_97] {strides = array<i32>} : memref<51216xi32, #tpu.memory_space<vmem>>, vector<16xi32>,
      %add3A_99 = vector.broadcast %mul3A_47 : i32 to vector<16xi32>
      %add3A_100 = arith.addi %get3A_98, %add3A_99 : vector<16xi32>
      tpu.vector_store_idx %arg5[%add3A_100], %broadcast_in_dim3A_3 {add = true} : memref<25600xf32, #tpu.memory_space<vmem>>[vector<16xi32>], vector<16xf32>,
      %add3A_101 = arith.constant 144 : i32
      %add3A_102 = arith.addi %mul3A_45, %add3A_101 : i32
      %get3A_103 = arith.index_cast %add3A_102 : i32 to index
      %get3A_104 = tpu.vector_load %arg4[%get3A_103] {strides = array<i32>} : memref<51216xi32, #tpu.memory_space<vmem>>, vector<16xi32>,
      %add3A_105 = vector.broadcast %mul3A_47 : i32 to vector<16xi32>
      %add3A_106 = arith.addi %get3A_104, %add3A_105 : vector<16xi32>
      tpu.vector_store_idx %arg5[%add3A_106], %broadcast_in_dim3A_3 {add = true} : memref<25600xf32, #tpu.memory_space<vmem>>[vector<16xi32>], vector<16xf32>,
      %add3A_107 = arith.constant 160 : i32
      %add3A_108 = arith.addi %mul3A_45, %add3A_107 : i32
      %get3A_109 = arith.index_cast %add3A_108 : i32 to index
      %get3A_110 = tpu.vector_load %arg4[%get3A_109] {strides = array<i32>} : memref<51216xi32, #tpu.memory_space<vmem>>, vector<16xi32>,
      %add3A_111 = vector.broadcast %mul3A_47 : i32 to vector<16xi32>
      %add3A_112 = arith.addi %get3A_110, %add3A_111 : vector<16xi32>
      tpu.vector_store_idx %arg5[%add3A_112], %broadcast_in_dim3A_3 {add = true} : memref<25600xf32, #tpu.memory_space<vmem>>[vector<16xi32>], vector<16xf32>,
      %add3A_113 = arith.constant 176 : i32
      %add3A_114 = arith.addi %mul3A_45, %add3A_113 : i32
      %get3A_115 = arith.index_cast %add3A_114 : i32 to index
      %get3A_116 = tpu.vector_load %arg4[%get3A_115] {strides = array<i32>} : memref<51216xi32, #tpu.memory_space<vmem>>, vector<16xi32>,
      %add3A_117 = vector.broadcast %mul3A_47 : i32 to vector<16xi32>
      %add3A_118 = arith.addi %get3A_116, %add3A_117 : vector<16xi32>
      tpu.vector_store_idx %arg5[%add3A_118], %broadcast_in_dim3A_3 {add = true} : memref<25600xf32, #tpu.memory_space<vmem>>[vector<16xi32>], vector<16xf32>,
      %add3A_119 = arith.constant 192 : i32
      %add3A_120 = arith.addi %mul3A_45, %add3A_119 : i32
      %get3A_121 = arith.index_cast %add3A_120 : i32 to index
      %get3A_122 = tpu.vector_load %arg4[%get3A_121] {strides = array<i32>} : memref<51216xi32, #tpu.memory_space<vmem>>, vector<16xi32>,
      %add3A_123 = vector.broadcast %mul3A_47 : i32 to vector<16xi32>
      %add3A_124 = arith.addi %get3A_122, %add3A_123 : vector<16xi32>
      tpu.vector_store_idx %arg5[%add3A_124], %broadcast_in_dim3A_3 masked %lt3A_2 {add = true} : memref<25600xf32, #tpu.memory_space<vmem>>[vector<16xi32>], vector<16xf32>, vector<16xi1>
    }
    %scan3A_20 = arith.constant 256 : i32
    %mul3A_21 = arith.constant 100 : i32
    %mul3A_22 = arith.muli %add3A_7, %mul3A_21 : i32
    "tpu.region"() ({
      %run_scoped3A = tpu.sem_alloc : memref<!tpu.dma_semaphore, #tpu.memory_space<semaphore_mem>>
      %dma_start3A = tpu.memref_slice %arg3[%mul3A_22] : memref<1638400xf32, #tpu.memory_space<hbm>> -> memref<25600xf32, #tpu.memory_space<hbm>>
      %dma_start3A_43 = tpu.memref_slice %arg3[%mul3A_22] : memref<1638400xf32, #tpu.memory_space<hbm>> -> memref<25600xf32, #tpu.memory_space<hbm>>
      tpu.enqueue_dma source(%arg5 : memref<25600xf32, #tpu.memory_space<vmem>>) target(%dma_start3A_43 : memref<25600xf32, #tpu.memory_space<hbm>>) target_semaphore(%run_scoped3A : memref<!tpu.dma_semaphore, #tpu.memory_space<semaphore_mem>>)
      %dma_wait3A = tpu.memref_slice %arg3[%mul3A_22] : memref<1638400xf32, #tpu.memory_space<hbm>> -> memref<25600xf32, #tpu.memory_space<hbm>>
      %dma_wait3A_44 = tpu.memref_slice %arg3[%mul3A_22] : memref<1638400xf32, #tpu.memory_space<hbm>> -> memref<25600xf32, #tpu.memory_space<hbm>>
      tpu.wait_dma2 semaphore(%run_scoped3A : memref<!tpu.dma_semaphore, #tpu.memory_space<semaphore_mem>>) src(%arg5 : memref<25600xf32, #tpu.memory_space<vmem>>) dst(%dma_wait3A_44 : memref<25600xf32, #tpu.memory_space<hbm>>)
      tpu.yield
    }) : () -> ()
    %mul3A_23 = arith.constant 512 : i32
    %mul3A_24 = arith.muli %add3A, %mul3A_23 : i32
    %add3A_25 = arith.constant 256 : i32
    %add3A_26 = arith.addi %mul3A_24, %add3A_25 : i32
    %mul3A_27 = arith.constant 200 : i32
    %mul3A_28 = arith.muli %add3A_26, %mul3A_27 : i32
    "tpu.region"() ({
      %run_scoped3A = tpu.sem_alloc : memref<!tpu.dma_semaphore, #tpu.memory_space<semaphore_mem>>
      %dma_start3A = arith.constant 0 : i32
      %dma_start3A_43 = tpu.memref_slice %arg4[%dma_start3A] : memref<51216xi32, #tpu.memory_space<vmem>> -> memref<51200xi32, #tpu.memory_space<vmem>>
      %dma_start3A_44 = tpu.memref_slice %arg2[%mul3A_28] : memref<3276800xi32, #tpu.memory_space<hbm>> -> memref<51200xi32, #tpu.memory_space<hbm>>
      %dma_start3A_45 = arith.constant 0 : i32
      %dma_start3A_46 = tpu.memref_slice %arg4[%dma_start3A_45] : memref<51216xi32, #tpu.memory_space<vmem>> -> memref<51200xi32, #tpu.memory_space<vmem>>
      %dma_start3A_47 = tpu.memref_slice %arg2[%mul3A_28] : memref<3276800xi32, #tpu.memory_space<hbm>> -> memref<51200xi32, #tpu.memory_space<hbm>>
      tpu.enqueue_dma source(%dma_start3A_47 : memref<51200xi32, #tpu.memory_space<hbm>>) target(%dma_start3A_46 : memref<51200xi32, #tpu.memory_space<vmem>>) target_semaphore(%run_scoped3A : memref<!tpu.dma_semaphore, #tpu.memory_space<semaphore_mem>>)
      %dma_wait3A = arith.constant 0 : i32
      %dma_wait3A_48 = tpu.memref_slice %arg4[%dma_wait3A] : memref<51216xi32, #tpu.memory_space<vmem>> -> memref<51200xi32, #tpu.memory_space<vmem>>
      %dma_wait3A_49 = tpu.memref_slice %arg2[%mul3A_28] : memref<3276800xi32, #tpu.memory_space<hbm>> -> memref<51200xi32, #tpu.memory_space<hbm>>
      %dma_wait3A_50 = arith.constant 0 : i32
      %dma_wait3A_51 = tpu.memref_slice %arg4[%dma_wait3A_50] : memref<51216xi32, #tpu.memory_space<vmem>> -> memref<51200xi32, #tpu.memory_space<vmem>>
      %dma_wait3A_52 = tpu.memref_slice %arg2[%mul3A_28] : memref<3276800xi32, #tpu.memory_space<hbm>> -> memref<51200xi32, #tpu.memory_space<hbm>>
      tpu.wait_dma2 semaphore(%run_scoped3A : memref<!tpu.dma_semaphore, #tpu.memory_space<semaphore_mem>>) src(%dma_wait3A_52 : memref<51200xi32, #tpu.memory_space<hbm>>) dst(%dma_wait3A_51 : memref<51200xi32, #tpu.memory_space<vmem>>)
      tpu.yield
    }) : () -> ()
    %scan3A_29 = arith.constant 0 : i32
    %scan3A_30 = arith.constant 0 : i32
    %scan3A_31 = arith.constant 1600 : i32
    %scan3A_32 = arith.addi %scan3A_30, %scan3A_31 : i32
    %scan3A_33 = arith.constant 1 : i32
    scf.for %scan3A_43 = %scan3A_30 to %scan3A_32 step %scan3A_33  : i32 {
      %broadcast_in_dim3A_44 = arith.constant 0.000000e+00 : f32
      %broadcast_in_dim3A_45 = vector.broadcast %broadcast_in_dim3A_44 : f32 to vector<16xf32>
      %mul3A_46 = arith.constant 16 : i32
      %mul3A_47 = arith.muli %scan3A_43, %mul3A_46 : i32
      %swap3A = arith.index_cast %mul3A_47 : i32 to index
      %swap3A_48 = tpu.vector_load %arg5[%swap3A] {strides = array<i32>} : memref<25600xf32, #tpu.memory_space<vmem>>, vector<16xf32>,
      tpu.vector_store %arg5[%swap3A], %broadcast_in_dim3A_45 {strides = array<i32>} : memref<25600xf32, #tpu.memory_space<vmem>>, vector<16xf32>,
    }
    %scan3A_34 = arith.constant 1600 : i32
    %scan3A_35 = arith.constant 0 : i32
    %scan3A_36 = arith.constant 0 : i32
    %scan3A_37 = arith.constant 256 : i32
    %scan3A_38 = arith.addi %scan3A_36, %scan3A_37 : i32
    %scan3A_39 = arith.constant 1 : i32
    scf.for %scan3A_43 = %scan3A_36 to %scan3A_38 step %scan3A_39  : i32 {
      %mul3A_44 = arith.constant 200 : i32
      %mul3A_45 = arith.muli %scan3A_43, %mul3A_44 : i32
      %mul3A_46 = arith.constant 100 : i32
      %mul3A_47 = arith.muli %scan3A_43, %mul3A_46 : i32
      %add3A_48 = arith.constant 0 : i32
      %add3A_49 = arith.addi %mul3A_45, %add3A_48 : i32
      %get3A = arith.index_cast %add3A_49 : i32 to index
      %get3A_50 = tpu.vector_load %arg4[%get3A] {strides = array<i32>} : memref<51216xi32, #tpu.memory_space<vmem>>, vector<16xi32>,
      %add3A_51 = vector.broadcast %mul3A_47 : i32 to vector<16xi32>
      %add3A_52 = arith.addi %get3A_50, %add3A_51 : vector<16xi32>
      tpu.vector_store_idx %arg5[%add3A_52], %broadcast_in_dim3A_3 {add = true} : memref<25600xf32, #tpu.memory_space<vmem>>[vector<16xi32>], vector<16xf32>,
      %add3A_53 = arith.constant 16 : i32
      %add3A_54 = arith.addi %mul3A_45, %add3A_53 : i32
      %get3A_55 = arith.index_cast %add3A_54 : i32 to index
      %get3A_56 = tpu.vector_load %arg4[%get3A_55] {strides = array<i32>} : memref<51216xi32, #tpu.memory_space<vmem>>, vector<16xi32>,
      %add3A_57 = vector.broadcast %mul3A_47 : i32 to vector<16xi32>
      %add3A_58 = arith.addi %get3A_56, %add3A_57 : vector<16xi32>
      tpu.vector_store_idx %arg5[%add3A_58], %broadcast_in_dim3A_3 {add = true} : memref<25600xf32, #tpu.memory_space<vmem>>[vector<16xi32>], vector<16xf32>,
      %add3A_59 = arith.constant 32 : i32
      %add3A_60 = arith.addi %mul3A_45, %add3A_59 : i32
      %get3A_61 = arith.index_cast %add3A_60 : i32 to index
      %get3A_62 = tpu.vector_load %arg4[%get3A_61] {strides = array<i32>} : memref<51216xi32, #tpu.memory_space<vmem>>, vector<16xi32>,
      %add3A_63 = vector.broadcast %mul3A_47 : i32 to vector<16xi32>
      %add3A_64 = arith.addi %get3A_62, %add3A_63 : vector<16xi32>
      tpu.vector_store_idx %arg5[%add3A_64], %broadcast_in_dim3A_3 {add = true} : memref<25600xf32, #tpu.memory_space<vmem>>[vector<16xi32>], vector<16xf32>,
      %add3A_65 = arith.constant 48 : i32
      %add3A_66 = arith.addi %mul3A_45, %add3A_65 : i32
      %get3A_67 = arith.index_cast %add3A_66 : i32 to index
      %get3A_68 = tpu.vector_load %arg4[%get3A_67] {strides = array<i32>} : memref<51216xi32, #tpu.memory_space<vmem>>, vector<16xi32>,
      %add3A_69 = vector.broadcast %mul3A_47 : i32 to vector<16xi32>
      %add3A_70 = arith.addi %get3A_68, %add3A_69 : vector<16xi32>
      tpu.vector_store_idx %arg5[%add3A_70], %broadcast_in_dim3A_3 {add = true} : memref<25600xf32, #tpu.memory_space<vmem>>[vector<16xi32>], vector<16xf32>,
      %add3A_71 = arith.constant 64 : i32
      %add3A_72 = arith.addi %mul3A_45, %add3A_71 : i32
      %get3A_73 = arith.index_cast %add3A_72 : i32 to index
      %get3A_74 = tpu.vector_load %arg4[%get3A_73] {strides = array<i32>} : memref<51216xi32, #tpu.memory_space<vmem>>, vector<16xi32>,
      %add3A_75 = vector.broadcast %mul3A_47 : i32 to vector<16xi32>
      %add3A_76 = arith.addi %get3A_74, %add3A_75 : vector<16xi32>
      tpu.vector_store_idx %arg5[%add3A_76], %broadcast_in_dim3A_3 {add = true} : memref<25600xf32, #tpu.memory_space<vmem>>[vector<16xi32>], vector<16xf32>,
      %add3A_77 = arith.constant 80 : i32
      %add3A_78 = arith.addi %mul3A_45, %add3A_77 : i32
      %get3A_79 = arith.index_cast %add3A_78 : i32 to index
      %get3A_80 = tpu.vector_load %arg4[%get3A_79] {strides = array<i32>} : memref<51216xi32, #tpu.memory_space<vmem>>, vector<16xi32>,
      %add3A_81 = vector.broadcast %mul3A_47 : i32 to vector<16xi32>
      %add3A_82 = arith.addi %get3A_80, %add3A_81 : vector<16xi32>
      tpu.vector_store_idx %arg5[%add3A_82], %broadcast_in_dim3A_3 {add = true} : memref<25600xf32, #tpu.memory_space<vmem>>[vector<16xi32>], vector<16xf32>,
      %add3A_83 = arith.constant 96 : i32
      %add3A_84 = arith.addi %mul3A_45, %add3A_83 : i32
      %get3A_85 = arith.index_cast %add3A_84 : i32 to index
      %get3A_86 = tpu.vector_load %arg4[%get3A_85] {strides = array<i32>} : memref<51216xi32, #tpu.memory_space<vmem>>, vector<16xi32>,
      %add3A_87 = vector.broadcast %mul3A_47 : i32 to vector<16xi32>
      %add3A_88 = arith.addi %get3A_86, %add3A_87 : vector<16xi32>
      tpu.vector_store_idx %arg5[%add3A_88], %broadcast_in_dim3A_3 {add = true} : memref<25600xf32, #tpu.memory_space<vmem>>[vector<16xi32>], vector<16xf32>,
      %add3A_89 = arith.constant 112 : i32
      %add3A_90 = arith.addi %mul3A_45, %add3A_89 : i32
      %get3A_91 = arith.index_cast %add3A_90 : i32 to index
      %get3A_92 = tpu.vector_load %arg4[%get3A_91] {strides = array<i32>} : memref<51216xi32, #tpu.memory_space<vmem>>, vector<16xi32>,
      %add3A_93 = vector.broadcast %mul3A_47 : i32 to vector<16xi32>
      %add3A_94 = arith.addi %get3A_92, %add3A_93 : vector<16xi32>
      tpu.vector_store_idx %arg5[%add3A_94], %broadcast_in_dim3A_3 {add = true} : memref<25600xf32, #tpu.memory_space<vmem>>[vector<16xi32>], vector<16xf32>,
      %add3A_95 = arith.constant 128 : i32
      %add3A_96 = arith.addi %mul3A_45, %add3A_95 : i32
      %get3A_97 = arith.index_cast %add3A_96 : i32 to index
      %get3A_98 = tpu.vector_load %arg4[%get3A_97] {strides = array<i32>} : memref<51216xi32, #tpu.memory_space<vmem>>, vector<16xi32>,
      %add3A_99 = vector.broadcast %mul3A_47 : i32 to vector<16xi32>
      %add3A_100 = arith.addi %get3A_98, %add3A_99 : vector<16xi32>
      tpu.vector_store_idx %arg5[%add3A_100], %broadcast_in_dim3A_3 {add = true} : memref<25600xf32, #tpu.memory_space<vmem>>[vector<16xi32>], vector<16xf32>,
      %add3A_101 = arith.constant 144 : i32
      %add3A_102 = arith.addi %mul3A_45, %add3A_101 : i32
      %get3A_103 = arith.index_cast %add3A_102 : i32 to index
      %get3A_104 = tpu.vector_load %arg4[%get3A_103] {strides = array<i32>} : memref<51216xi32, #tpu.memory_space<vmem>>, vector<16xi32>,
      %add3A_105 = vector.broadcast %mul3A_47 : i32 to vector<16xi32>
      %add3A_106 = arith.addi %get3A_104, %add3A_105 : vector<16xi32>
      tpu.vector_store_idx %arg5[%add3A_106], %broadcast_in_dim3A_3 {add = true} : memref<25600xf32, #tpu.memory_space<vmem>>[vector<16xi32>], vector<16xf32>,
      %add3A_107 = arith.constant 160 : i32
      %add3A_108 = arith.addi %mul3A_45, %add3A_107 : i32
      %get3A_109 = arith.index_cast %add3A_108 : i32 to index
      %get3A_110 = tpu.vector_load %arg4[%get3A_109] {strides = array<i32>} : memref<51216xi32, #tpu.memory_space<vmem>>, vector<16xi32>,
      %add3A_111 = vector.broadcast %mul3A_47 : i32 to vector<16xi32>
      %add3A_112 = arith.addi %get3A_110, %add3A_111 : vector<16xi32>
      tpu.vector_store_idx %arg5[%add3A_112], %broadcast_in_dim3A_3 {add = true} : memref<25600xf32, #tpu.memory_space<vmem>>[vector<16xi32>], vector<16xf32>,
      %add3A_113 = arith.constant 176 : i32
      %add3A_114 = arith.addi %mul3A_45, %add3A_113 : i32
      %get3A_115 = arith.index_cast %add3A_114 : i32 to index
      %get3A_116 = tpu.vector_load %arg4[%get3A_115] {strides = array<i32>} : memref<51216xi32, #tpu.memory_space<vmem>>, vector<16xi32>,
      %add3A_117 = vector.broadcast %mul3A_47 : i32 to vector<16xi32>
      %add3A_118 = arith.addi %get3A_116, %add3A_117 : vector<16xi32>
      tpu.vector_store_idx %arg5[%add3A_118], %broadcast_in_dim3A_3 {add = true} : memref<25600xf32, #tpu.memory_space<vmem>>[vector<16xi32>], vector<16xf32>,
      %add3A_119 = arith.constant 192 : i32
      %add3A_120 = arith.addi %mul3A_45, %add3A_119 : i32
      %get3A_121 = arith.index_cast %add3A_120 : i32 to index
      %get3A_122 = tpu.vector_load %arg4[%get3A_121] {strides = array<i32>} : memref<51216xi32, #tpu.memory_space<vmem>>, vector<16xi32>,
      %add3A_123 = vector.broadcast %mul3A_47 : i32 to vector<16xi32>
      %add3A_124 = arith.addi %get3A_122, %add3A_123 : vector<16xi32>
      tpu.vector_store_idx %arg5[%add3A_124], %broadcast_in_dim3A_3 masked %lt3A_2 {add = true} : memref<25600xf32, #tpu.memory_space<vmem>>[vector<16xi32>], vector<16xf32>, vector<16xi1>
    }
    %scan3A_40 = arith.constant 256 : i32
    %mul3A_41 = arith.constant 100 : i32
    %mul3A_42 = arith.muli %add3A_26, %mul3A_41 : i32
    "tpu.region"() ({
      %run_scoped3A = tpu.sem_alloc : memref<!tpu.dma_semaphore, #tpu.memory_space<semaphore_mem>>
      %dma_start3A = tpu.memref_slice %arg3[%mul3A_42] : memref<1638400xf32, #tpu.memory_space<hbm>> -> memref<25600xf32, #tpu.memory_space<hbm>>
      %dma_start3A_43 = tpu.memref_slice %arg3[%mul3A_42] : memref<1638400xf32, #tpu.memory_space<hbm>> -> memref<25600xf32, #tpu.memory_space<hbm>>
      tpu.enqueue_dma source(%arg5 : memref<25600xf32, #tpu.memory_space<vmem>>) target(%dma_start3A_43 : memref<25600xf32, #tpu.memory_space<hbm>>) target_semaphore(%run_scoped3A : memref<!tpu.dma_semaphore, #tpu.memory_space<semaphore_mem>>)
      %dma_wait3A = tpu.memref_slice %arg3[%mul3A_42] : memref<1638400xf32, #tpu.memory_space<hbm>> -> memref<25600xf32, #tpu.memory_space<hbm>>
      %dma_wait3A_44 = tpu.memref_slice %arg3[%mul3A_42] : memref<1638400xf32, #tpu.memory_space<hbm>> -> memref<25600xf32, #tpu.memory_space<hbm>>
      tpu.wait_dma2 semaphore(%run_scoped3A : memref<!tpu.dma_semaphore, #tpu.memory_space<semaphore_mem>>) src(%arg5 : memref<25600xf32, #tpu.memory_space<vmem>>) dst(%dma_wait3A_44 : memref<25600xf32, #tpu.memory_space<hbm>>)
      tpu.yield
    }) : () -> ()
    return
  }
}

module attributes {stable_mosaic.version = 14 : i64} {
  func.func @body(%arg0: i32, %arg1: memref<1024x100xf32, #tpu.memory_space<vmem>>, %arg2: memref<100x32xf32, #tpu.memory_space<vmem>>, %arg3: memref<1024x32xf32, #tpu.memory_space<vmem>>) attributes {dimension_semantics = [#tpu.dimension_semantics<arbitrary>], iteration_bounds = array<i64: 16>, scalar_prefetch = 0 : i64, scratch_operands = 0 : i64, tpu.core_type = #tpu.core_type<tc>, window_params = [{transform_indices = @transform_0, window_bounds = array<i64: 1024, 100>}, {pipeline_mode = #tpu.pipeline_mode<synchronous>, transform_indices = @transform_1, window_bounds = array<i64: 100, 32>}, {transform_indices = @transform_2, window_bounds = array<i64: 1024, 32>}]} {
    %get3A = arith.constant 0 : index
    %get3A_0 = arith.constant 0 : index
    %get3A_1 = vector.load %arg1[%get3A, %get3A_0] : memref<1024x100xf32, #tpu.memory_space<vmem>>, vector<1024x100xf32>
    %get3A_2 = arith.constant 0 : index
    %get3A_3 = arith.constant 0 : index
    %get3A_4 = vector.load %arg2[%get3A_2, %get3A_3] : memref<100x32xf32, #tpu.memory_space<vmem>>, vector<100x32xf32>
    %dot_general3A = arith.constant dense<0.000000e+00> : vector<1024x32xf32>
    %dot_general3A_5 = tpu.matmul %get3A_1, %get3A_4, %dot_general3A {dimension_numbers = #tpu.dot_dimension_numbers<[1], [0], [0], [1], [0, 0, 1, 1], [], []>, transpose_lhs_hint = false} : vector<1024x100xf32>, vector<100x32xf32>, vector<1024x32xf32> -> vector<1024x32xf32>
    %swap3A = arith.constant 0 : index
    %swap3A_6 = arith.constant 0 : index
    %swap3A_7 = vector.load %arg3[%swap3A, %swap3A_6] : memref<1024x32xf32, #tpu.memory_space<vmem>>, vector<1024x32xf32>
    tpu.vector_store %arg3[%swap3A, %swap3A_6], %dot_general3A_5 {strides = array<i32>} : memref<1024x32xf32, #tpu.memory_space<vmem>>, vector<1024x32xf32>,
    return
  }
  func.func @transform_0(%arg0: i32) -> (i32, i32) {
    %c0_i32 = arith.constant 0 : i32
    %c0_i32_0 = arith.constant 0 : i32
    return %arg0, %c0_i32 : i32, i32
  }
  func.func @transform_1(%arg0: i32) -> (i32, i32) {
    %c0_i32 = arith.constant 0 : i32
    %c0_i32_0 = arith.constant 0 : i32
    %c0_i32_1 = arith.constant 0 : i32
    return %c0_i32, %c0_i32_0 : i32, i32
  }
  func.func @transform_2(%arg0: i32) -> (i32, i32) {
    %c0_i32 = arith.constant 0 : i32
    %c0_i32_0 = arith.constant 0 : i32
    return %arg0, %c0_i32 : i32, i32
  }
}

</mosaic_0001>

<sc_bundles>
// kernel: kernel.4.cloned.1.call-start
scs
__scs_entry_jumppad:
0x0: {  	(pc) =	sbr.rel $0x88, $3  }
0x1: {  	(tag) =	ssettag $0x0;
	lr =	simm.s32 $0x1  }
0x2: {  	[smem:$0x3F9F] =	sst lr;
	_ =	strace $0xD0000000  }
0x3: {  	_ = 	snop  }
0x4: {  	_ = 	snop  }
0x5: {  	_ = 	snop  }
0x6: {  	_ = 	snop  }
0x7: {  	_ = 	snop  }
__scs_overlays_trampoline_lowered:
0x8: {  	[smem:$0x3FAE] =	sst s0  }
0x9: {  	[smem:$0x3FAF] =	sst s1  }
0xa: {  	[smem:$0x3FB0] =	sst s2  }
0xb: {  	[smem:$0x3FB1] =	sst s3  }
0xc: {  	[smem:$0x3FB2] =	sst s4  }
0xd: {  	[smem:$0x3FB3] =	sst s5  }
0xe: {  	[smem:$0x3FB4] =	sst s6  }
0xf: {  	[smem:$0x3FB5] =	sst s7  }
0x10: {  	[smem:$0x3FB6] =	sst s8  }
0x11: {  	[smem:$0x3FB7] =	sst s9;
	s0 =	simm.s32 @!p0 $0x0  }
0x12: {  	s1 =	sld [smem:$0x3F9D];
	s0 =	simm.s32 @p0 $0x1  }
0x13: {  	[smem:$0x3FB8] =	sst s0;
	s0 =	simm.s32 @!p1 $0x0  }
0x14: {  	s2 =	sld [smem:$0x3F9C];
	s0 =	simm.s32 @p1 $0x1  }
0x15: {  	[smem:$0x3FB9] =	sst s0;
	s0 =	simm.s32 @!p2 $0x0  }
0x16: {  	s3 =	sld [smem:$0x3FDB];
	s0 =	simm.s32 @p2 $0x1  }
0x17: {  	s4 =	simm.s32 $0x1BF5;
	[smem:$0x3FBB] =	sst s0  }
0x18: {  	s0 =	sld [smem:$0x3F9E];
	_ =	swait.ge [sflag:s4], $0x0  }
0x19: {  	s7 =	sld [smem:$0x3F9F]  }
0x1a: {  	s8 =	sadd.s32 $0xFFFFE003, lr  }
0x1b: {  	s9 =	sadd.s32 $0xFFFFFEF7, lr;
	s5 =	simm.s32 $0xFFFFFFFF;
	p2 =	slt.u32 s8, $0xFFFFF086  }
0x1c: {  	p1 =	slt.u32 s9, $0xF7A;
	s5 =	simm.s32 @!p2 $0x0  }
0x1d: {  	s5 =	simm.s32 @p1 $0x1;
	p0 =	seq.s32 s7, s2  }
0x1e: {  	s7 =	smul.u32 @!p0 $0xF7A, s2;
	p2 =	seq.s32 @!p0 s5, $0x0  }
0x1f: {  	s9 =	smul.u32 $0xF7A, s1;
	s8 =	simm.s32 @!p0 $0x1BF5;
	p2 =	por !p2, p0  }
0x20: {  	[sflag:s8] =	ssyncset.s32 @!p0 $0xFFFFF086;
	s6 =	sadd.s32 @!p0 s3, s7;
	s7 =	simm.s32 @!p0 $0x108  }
0x21: {  	s3 =	sadd.s32 s3, s9;
	s6 =	sadd.s32 @!p0 $0x88, s6;
	s7 =	simm.s32 @p2 $0x1082  }
0x22: {  	[simem:s7], [sflag:s8] =	dma.local @!p0 [hbm:s6], $0xF7A  }
0x23: {  	s9 =	sor.u32 $0xD0000000, s2;
	s6 =	simm.s32 $0x108;
	_ =	swait.ge @!p0 [sflag:s8], $0x0  }
0x24: {  	s3 =	sadd.s32 $0x88, s3;
	s6 =	simm.s32 @!p1 $0x1082;
	[sflag:s4] =	ssyncset.s32 $0xFFFFF086  }
0x25: {  	[simem:s6], [sflag:s4] =	dma.local [hbm:s3], $0xF7A  }
0x26: {  	[smem:$0x3F9F] =	sst s1;
	(tag) =	ssettag s2;
	_ =	strace s9  }
0x27: {  	s1 =	sld [smem:$0x3FAF]  }
0x28: {  	s2 =	sld [smem:$0x3FB0]  }
0x29: {  	s4 =	sld [smem:$0x3FB2]  }
0x2a: {  	p0 =	seq.s32 s5, $0x0;
	s5 =	sld [smem:$0x3FB3]  }
0x2b: {  	s6 =	sld [smem:$0x3FB4]  }
0x2c: {  	s7 =	sld [smem:$0x3FB5]  }
0x2d: {  	s3 =	simm.s32 $0x108;
	s8 =	sld [smem:$0x3FB6]  }
0x2e: {  	s3 =	simm.s32 @!p0 $0x1082;
	s9 =	sld [smem:$0x3FB7]  }
0x2f: {  	lr =	sadd.s32 s0, s3;
	s0 =	sld [smem:$0x3FAE]  }
0x30: {  	s3 =	sld [smem:$0x3FB1]  }
0x31: {  	[smem:$0x3FBA] =	sst s10  }
0x32: {  	s10 =	sld [smem:$0x3FB8];
	_ =	sdelay $0x3  }
0x33: {  	p0 =	seq.s32 s10, $0x1;
	s10 =	sld [smem:$0x3FBA];
	_ =	sdelay $0x3  }
0x34: {  	[smem:$0x3FBA] =	sst s10  }
0x35: {  	s10 =	sld [smem:$0x3FB9];
	_ =	sdelay $0x3  }
0x36: {  	p1 =	seq.s32 s10, $0x1;
	s10 =	sld [smem:$0x3FBA];
	_ =	sdelay $0x3  }
0x37: {  	[smem:$0x3FBA] =	sst s10  }
0x38: {  	s10 =	sld [smem:$0x3FBB]  }
0x39: {  	_ = 	snop;
	(pc) =	sbr.ind lr, $3  }
0x3a: {  	_ = 	snop  }
0x3b: {  	_ = 	snop  }
0x3c: {  	p2 =	seq.s32 s10, $0x1;
	s10 =	sld [smem:$0x3FBA]  }
0x3d: {  	_ =	shalt  }
0x3e: {  	_ =	shalt  }
0x3f: {  	_ =	shalt  }
0x40: {  	_ =	shalt  }
0x41: {  	_ =	shalt  }
0x42: {  	_ =	shalt  }
0x43: {  	_ =	shalt  }
0x44: {  	_ =	shalt  }
0x45: {  	_ =	shalt  }
0x46: {  	_ =	shalt  }
0x47: {  	_ =	shalt  }
0x48: {  	_ =	shalt  }
0x49: {  	_ =	shalt  }
0x4a: {  	_ =	shalt  }
0x4b: {  	_ =	shalt  }
0x4c: {  	_ =	shalt  }
0x4d: {  	_ =	shalt  }
0x4e: {  	_ =	shalt  }
0x4f: {  	_ =	shalt  }
0x50: {  	_ =	shalt  }
0x51: {  	_ =	shalt  }
0x52: {  	_ =	shalt  }
0x53: {  	_ =	shalt  }
0x54: {  	_ =	shalt  }
0x55: {  	_ =	shalt  }
0x56: {  	_ =	shalt  }
0x57: {  	_ =	shalt  }
0x58: {  	_ =	shalt  }
0x59: {  	_ =	shalt  }
0x5a: {  	_ =	shalt  }
0x5b: {  	_ =	shalt  }
0x5c: {  	_ =	shalt  }
0x5d: {  	_ =	shalt  }
0x5e: {  	_ =	shalt  }
0x5f: {  	_ =	shalt  }
0x60: {  	_ =	shalt  }
0x61: {  	_ =	shalt  }
0x62: {  	_ =	shalt  }
0x63: {  	_ =	shalt  }
0x64: {  	_ =	shalt  }
0x65: {  	_ =	shalt  }
0x66: {  	_ =	shalt  }
0x67: {  	_ =	shalt  }
0x68: {  	_ =	shalt  }
0x69: {  	_ =	shalt  }
0x6a: {  	_ =	shalt  }
0x6b: {  	_ =	shalt  }
0x6c: {  	_ =	shalt  }
0x6d: {  	_ =	shalt  }
0x6e: {  	_ =	shalt  }
0x6f: {  	_ =	shalt  }
0x70: {  	_ =	shalt  }
0x71: {  	_ =	shalt  }
0x72: {  	_ =	shalt  }
0x73: {  	_ =	shalt  }
0x74: {  	_ =	shalt  }
0x75: {  	_ =	shalt  }
0x76: {  	_ =	shalt  }
0x77: {  	_ =	shalt  }
0x78: {  	_ =	shalt  }
0x79: {  	_ =	shalt  }
0x7a: {  	_ =	shalt  }
0x7b: {  	_ =	shalt  }
0x7c: {  	_ =	shalt  }
0x7d: {  	_ =	shalt  }
0x7e: {  	_ =	shalt  }
0x7f: {  	_ =	shalt  }
0x80: {  	_ =	shalt  }
0x81: {  	_ =	shalt  }
0x82: {  	_ =	shalt  }
0x83: {  	_ =	shalt  }
0x84: {  	_ =	shalt  }
0x85: {  	_ =	shalt  }
0x86: {  	_ =	shalt  }
0x87: {  	_ =	shalt  }
.Lfunc_end0:
.L_simem_size_0:
called_computation_lowered:
.L_overlay_start_0:
0x88: {  	s2 =	sld [smem:$0x3FD9]  }
0x89: {  	s3 =	sld [smem:$0x3FFE];
	_ =	sdelay $0x1  }
0x8a: {  	s1 =	srdreg.scid  }
0x8b: {  	s0 =	sand.u32 $0x1, s1  }
0x8c: {  	s16 =	sshll.u32 s0, $0xA;
	s2 =	sadd.s32 s3, s2  }
0x8d: {  	s2 =	sadd.s32 s2, s16  }
0x8e: {  	[smem:$0x3FC6] =	sst s2  }
0x8f: {  	_ = 	snop  }
0x90: {  	(tm) =	ssettm $0x1  }
0x91: {  	s17 =	sld [smem:$0x3FFB];
	_ =	sdelay $0x3  }
0x92: {  	_ =	strace s17  }
0x93: {  	s2 =	sld [smem:$0x3FFC];
	_ =	sdelay $0x3  }
0x94: {  	_ =	strace s2  }
0x95: {  	s2 =	sld [smem:$0x3FFD];
	_ =	sdelay $0x3  }
0x96: {  	_ =	strace s2  }
0x97: {  	_ =	strace $0x8FFFFFFF  }
0x98: {  	s18 =	sld [smem:$0x3FDB];
	_ =	sdelay $0x1  }
0x99: {  	s19 =	simm.s32 $_scs_section_size  }
0x9a: {  	s4 =	simm.s32 $_size__tile_overlayer_lowered;
	s5 =	simm.s32 $_tile_overlayer_lowered  }
0x9b: {  	s22 =	simm.s32 $0x1BFF;
	s21 =	sshll.u32 s5, $0x1;
	s2 =	sadd.s32 s19, s18  }
0x9c: {  	s6 =	simm.s32 $0x0;
	s20 =	sshll.u32 s4, $0x1;
	s4 =	sadd.s32 s21, s2  }
0x9d: {  	[timem:s6], [sflag:s22] =	dma.local [hbm:s4], s20  }
0x9e: {  	_ =	swait.ge [sflag:s22], s20  }
0x9f: {  	s3 =	ssub.s32 $0x0, s20;
	[sflag:s22] =	ssyncset.done $0x0  }
0xa0: {  	[sflag:s22] =	ssyncadd.s32 s3;
	_ =	sdelay $0x1  }
0xa1: {  	s23 =	simm.s32 $0x1B8B  }
0xa2: {  	_ =	swait.ge [sflag:s23], $0x1  }
0xa3: {  	[sflag:s23] =	ssyncset.done $0x0  }
0xa4: {  	s25 =	simm.s32 $0x1B8E;
	s24 =	sld [smem:$0x3FFE];
	[sflag:s23] =	ssyncadd.s32 $0xFFFFFFFF  }
0xa5: {  	s26 =	simm.s32 $execute0_lowered;
	[smem:$0x3FD2] =	sst s25  }
0xa6: {  	s4 =	sshll.u32 s26, $0x1;
	_ =	strace $0x80000046;
	[dreg:$0x1] =	wrdreg $0xFFFFFFFF  }
0xa7: {  	s28 =	simm.s32 $_size_execute0_lowered;
	s2 =	sadd.s32 s2, s4;
	[dreg:$0x0] =	wrdreg $0x0  }
0xa8: {  	s4 =	sshll.u32 s28, $0x1;
	[dreg:$0x2] =	wrdreg s2  }
0xa9: {  	[dreg:$0x3] =	wrdreg s4  }
0xaa: {  	[dreg:$0x4] =	wrdreg $0xC0  }
0xab: {  	_ =	task [dreg:s6], $0x5FFFF  }
0xac: {  	[dreg:$0x1] =	wrdreg $0xFFFFFFFF  }
0xad: {  	[dreg:$0x0] =	wrdreg $0x60  }
0xae: {  	[dreg:$0x2] =	wrdreg s24  }
0xaf: {  	[dreg:$0x3] =	wrdreg $0x9  }
0xb0: {  	_ =	task.clear_ibuf [dreg:s6], $0x4FFFF;
	_ =	strace $0x90000046  }
0xb1: {  	s29 =	simm.s32 $0x9;
	_ =	strace $0x80000048  }
0xb2: {  	_ =	swait.ge [sflag:s29], $0x1  }
0xb3: {  	[sflag:s29] =	ssyncadd.s32 $0xFFFFFFFF  }
0xb4: {  	_ =	strace $0x90000048  }
0xb5: {  	_ =	sfence  }
0xb6: {  	s30 =	sld [smem:$0x0];
	_ =	sdelay $0x2  }
0xb7: {  	s31 =	sshll.u32 s1, $0xD;
	s1 =	sshrl.u32 s1, $0x2  }
0xb8: {  	s3 =	sand.u32 $0x4000, s31;
	s1 =	sadd.s32 s1, s30  }
0xb9: {  	s0 =	sor.u32 s3, s0;
	s1 =	sshll.u32 s1, $0x11  }
0xba: {  	s0 =	sor.u32 s1, s0  }
0xbb: {  	s0 =	sadd.s32 $0x8F2B, s0  }
0xbc: {  	[sflag:s0] =	ssyncadd.remote.s32 $0x1  }
0xbd: {  	_ =	sfence.sel $0xFFFF  }
0xbe: {  	[dreg:$0x0] =	wrdreg $0xFFFFFFFF;
	(pc) =	sbr.abs _section_cstart, $3  }
0xbf: {  	[dreg:$0x1] =	wrdreg $0xFFFFFFFF  }
0xc0: {  	_ =	task.clear_ibuf [dreg:s6], $0x2FFFF;
	_ =	strace $0x9FFFFFFF  }
0xc1: {  	(tm) =	ssettm $0x7FFFFFFF  }
tec
execute0_lowered:
.L_overlay_start_1:
0x0: {  	(tag) =	ssettag $0x1  }
0x1: {  	s3 =	rddreg [dreg:$0x0]  }
0x2: {  	s0 =	rddreg [dreg:$0x1]  }
0x3: {  	s4 =	srdreg.scid;
	s1 =	stileid.u32  }
0x4: {  	s2 =	simm.s32 $0x0;
	s4 =	sand.u32 $0x1, s4;
	s5 =	sshll.u32 s1, $0x1  }
0x5: {  	[smem:$0x7FF] =	sst s2;
	s5 =	sor.u32 s4, s5  }
0x6: {  	s8 =	sadd.s32 $0x600, s3;
	s6 =	smul.u32 $0x3200, s5;
	s7 =	sshll.u32 s5, $0x9  }
0x7: {  	s4 =	ssub.s32 $0x2, s4;
	s5 =	smul.u32 $0x1900, s5;
	s7 =	sor.u32 $0x100, s7  }
0x8: {  	s11 =	sadd.s32 $0x64600, s3;
	s9 =	sshrl.u32 s4, $0x1;
	s10 =	smul.u32 $0x64, s7  }
0x9: {  	_ =	strace $0x80000047;
	s9 =	ssub.s32 s4, s9;
	s7 =	smul.u32 $0x19, s7  }
0xa: {  	s3 =	sadd.s32 s8, s6;
	s4 =	sadd.s32 s11, s5;
	s31 =	sshrl.u32 s10, $0x3  }
0xb: {  	s5 =	sadd.s32 s8, s7;
	s7 =	smax.u32 s9, $0x1;
	s8 =	simm.s32 $0x1  }
0xc: {  	v0 =	vimm.f32 $0.0e+00;
	v1 =	vimm.f32 $1.000000000e+00;
	s9 =	simm.s32 $0xC880;
	s10 =	simm.s32 $0x0;
	s6 =	sadd.s32 s11, s31  }
.LBB2_1:
0xd: {  	[tilespmem:s2], [sflag:$0x1] =	stream.linear.gather [hbm4b:s3+s2], $0xC800, $0x38;
	[tilespmem:$0x12C80] =	vst v63  }
0xe: {  	_ =	swait.ge [sflag:s8], $0xC800  }
0xf: {  	[sflag:s8] =	ssyncset.done $0x0  }
0x10: {  	s11 =	simm.s32 $0x0;
	[sflag:s8] =	ssyncadd.s32 $0xFFFF3800  }
.LBB2_2:
0x11: {  	p0 =	sne.s32 s11, $0x18FC0  }
.Ltmp0:
0x12: {  	_ = 	snop;
	(pc) =	sbr.rel @p0 .LBB2_2-.Ltmp0, $3  }
0x13: {  	_ =	sdelay $0x1  }
0x14: {  	s12 =	sshra.s32 s11, $0x2  }
0x15: {  	s11 =	sadd.s32 $0x40, s11;
	[tilespmem:s12+$0xC880] =	vst v0  }
0x16: {  	s11 =	simm.s32 $0x0;
	s12 =	simm.s32 $0x60;
	s13 =	simm.s32 $0x0  }
.LBB2_4:
0x17: {  	v2 =	vld [tilespmem:s12+$0xFFFFFFA0];
	_ =	sdelay $0x4  }
0x18: {  	v2 =	vadd.s32 s11, v2;
	_ =	sdelay $0x4  }
0x19: {  	[tilespmem:v2+s9+$0x0] =	vst.idx.add.f32.msk $0xffff, v1  }
0x1a: {  	v2 =	vld [tilespmem:s12+$0xFFFFFFB0];
	_ =	sdelay $0x4  }
0x1b: {  	v2 =	vadd.s32 s11, v2;
	_ =	sdelay $0x4  }
0x1c: {  	[tilespmem:v2+s9+$0x0] =	vst.idx.add.f32.msk $0xffff, v1  }
0x1d: {  	v2 =	vld [tilespmem:s12+$0xFFFFFFC0];
	_ =	sdelay $0x4  }
0x1e: {  	v2 =	vadd.s32 s11, v2;
	_ =	sdelay $0x4  }
0x1f: {  	[tilespmem:v2+s9+$0x0] =	vst.idx.add.f32.msk $0xffff, v1  }
0x20: {  	v2 =	vld [tilespmem:s12+$0xFFFFFFD0];
	_ =	sdelay $0x4  }
0x21: {  	v2 =	vadd.s32 s11, v2;
	_ =	sdelay $0x4  }
0x22: {  	[tilespmem:v2+s9+$0x0] =	vst.idx.add.f32.msk $0xffff, v1  }
0x23: {  	v2 =	vld [tilespmem:s12+$0xFFFFFFE0];
	_ =	sdelay $0x4  }
0x24: {  	v2 =	vadd.s32 s11, v2;
	_ =	sdelay $0x4  }
0x25: {  	[tilespmem:v2+s9+$0x0] =	vst.idx.add.f32.msk $0xffff, v1  }
0x26: {  	v2 =	vld [tilespmem:s12+$0xFFFFFFF0];
	_ =	sdelay $0x4  }
0x27: {  	v2 =	vadd.s32 s11, v2;
	_ =	sdelay $0x4  }
0x28: {  	[tilespmem:v2+s9+$0x0] =	vst.idx.add.f32.msk $0xffff, v1  }
0x29: {  	v2 =	vld [tilespmem:s12+$0x0];
	_ =	sdelay $0x4  }
0x2a: {  	v2 =	vadd.s32 s11, v2;
	_ =	sdelay $0x4  }
0x2b: {  	[tilespmem:v2+s9+$0x0] =	vst.idx.add.f32.msk $0xffff, v1  }
0x2c: {  	v2 =	vld [tilespmem:s12+$0x10];
	_ =	sdelay $0x4  }
0x2d: {  	v2 =	vadd.s32 s11, v2;
	_ =	sdelay $0x4  }
0x2e: {  	s14 =	sand.u32 $0xFFF8, s13;
	[tilespmem:v2+s9+$0x0] =	vst.idx.add.f32.msk $0xffff, v1  }
0x2f: {  	v2 =	vld [tilespmem:s14+$0x80];
	_ =	sdelay $0x4  }
0x30: {  	v2 =	vadd.s32 s11, v2;
	_ =	sdelay $0x4  }
0x31: {  	[tilespmem:v2+s9+$0x0] =	vst.idx.add.f32.msk $0xffff, v1  }
0x32: {  	v2 =	vld [tilespmem:s12+$0x30];
	_ =	sdelay $0x4  }
0x33: {  	v2 =	vadd.s32 s11, v2;
	_ =	sdelay $0x4  }
0x34: {  	[tilespmem:v2+s9+$0x0] =	vst.idx.add.f32.msk $0xffff, v1  }
0x35: {  	v2 =	vld [tilespmem:s12+$0x40];
	_ =	sdelay $0x4  }
0x36: {  	v2 =	vadd.s32 s11, v2;
	_ =	sdelay $0x4  }
0x37: {  	[tilespmem:v2+s9+$0x0] =	vst.idx.add.f32.msk $0xffff, v1  }
0x38: {  	v2 =	vld [tilespmem:s12+$0x50];
	_ =	sdelay $0x4  }
0x39: {  	v2 =	vadd.s32 s11, v2;
	_ =	sdelay $0x4  }
0x3a: {  	[tilespmem:v2+s9+$0x0] =	vst.idx.add.f32.msk $0xffff, v1  }
0x3b: {  	v2 =	vld [tilespmem:s12+$0x60];
	_ =	sdelay $0x4  }
0x3c: {  	p0 =	sne.s32 s13, $0xC738;
	v2 =	vadd.s32 s11, v2  }
.Ltmp1:
0x3d: {  	_ = 	snop;
	(pc) =	sbr.rel @p0 .LBB2_4-.Ltmp1, $2  }
0x3e: {  	_ =	sdelay $0x2  }
0x3f: {  	s13 =	sadd.s32 $0xC8, s13;
	s12 =	sadd.s32 $0xC8, s12;
	s11 =	sadd.s32 $0x64, s11;
	[tilespmem:v2+s9+$0x0] =	vst.idx.add.f32.msk $0xff, v1  }
0x40: {  	s11 =	simm.s32 $0x0  }
0x41: {  	[hbm4b:s4+s11] =	stream.linear.scatter [tilespmem:s9], [sflag:$0x1], $0x6400, $0x38;
	[tilespmem:$0x12C80] =	vst v63  }
0x42: {  	_ =	swait.ge [sflag:s8], $0x6400  }
0x43: {  	[sflag:s8] =	ssyncset.done $0x0  }
0x44: {  	[sflag:s8] =	ssyncadd.s32 $0xFFFF9C00  }
0x45: {  	[tilespmem:s11], [sflag:$0x1] =	stream.linear.gather [hbm4b:s5+s11], $0xC800, $0x38;
	[tilespmem:$0x12C80] =	vst v63  }
0x46: {  	_ =	swait.ge [sflag:s8], $0xC800  }
0x47: {  	[sflag:s8] =	ssyncset.done $0x0  }
0x48: {  	s12 =	simm.s32 $0x0;
	[sflag:s8] =	ssyncadd.s32 $0xFFFF3800  }
.LBB2_6:
0x49: {  	p0 =	sne.s32 s12, $0x18FC0  }
.Ltmp2:
0x4a: {  	_ = 	snop;
	(pc) =	sbr.rel @p0 .LBB2_6-.Ltmp2, $3  }
0x4b: {  	_ =	sdelay $0x1  }
0x4c: {  	s13 =	sshra.s32 s12, $0x2  }
0x4d: {  	s12 =	sadd.s32 $0x40, s12;
	[tilespmem:s13+$0xC880] =	vst v0  }
0x4e: {  	s12 =	simm.s32 $0x60;
	s13 =	simm.s32 $0x0  }
.LBB2_8:
0x4f: {  	v2 =	vld [tilespmem:s12+$0xFFFFFFA0];
	_ =	sdelay $0x4  }
0x50: {  	v2 =	vadd.s32 s11, v2;
	_ =	sdelay $0x4  }
0x51: {  	[tilespmem:v2+s9+$0x0] =	vst.idx.add.f32.msk $0xffff, v1  }
0x52: {  	v2 =	vld [tilespmem:s12+$0xFFFFFFB0];
	_ =	sdelay $0x4  }
0x53: {  	v2 =	vadd.s32 s11, v2;
	_ =	sdelay $0x4  }
0x54: {  	[tilespmem:v2+s9+$0x0] =	vst.idx.add.f32.msk $0xffff, v1  }
0x55: {  	v2 =	vld [tilespmem:s12+$0xFFFFFFC0];
	_ =	sdelay $0x4  }
0x56: {  	v2 =	vadd.s32 s11, v2;
	_ =	sdelay $0x4  }
0x57: {  	[tilespmem:v2+s9+$0x0] =	vst.idx.add.f32.msk $0xffff, v1  }
0x58: {  	v2 =	vld [tilespmem:s12+$0xFFFFFFD0];
	_ =	sdelay $0x4  }
0x59: {  	v2 =	vadd.s32 s11, v2;
	_ =	sdelay $0x4  }
0x5a: {  	[tilespmem:v2+s9+$0x0] =	vst.idx.add.f32.msk $0xffff, v1  }
0x5b: {  	v2 =	vld [tilespmem:s12+$0xFFFFFFE0];
	_ =	sdelay $0x4  }
0x5c: {  	v2 =	vadd.s32 s11, v2;
	_ =	sdelay $0x4  }
0x5d: {  	[tilespmem:v2+s9+$0x0] =	vst.idx.add.f32.msk $0xffff, v1  }
0x5e: {  	v2 =	vld [tilespmem:s12+$0xFFFFFFF0];
	_ =	sdelay $0x4  }
0x5f: {  	v2 =	vadd.s32 s11, v2;
	_ =	sdelay $0x4  }
0x60: {  	[tilespmem:v2+s9+$0x0] =	vst.idx.add.f32.msk $0xffff, v1  }
0x61: {  	v2 =	vld [tilespmem:s12+$0x0];
	_ =	sdelay $0x4  }
0x62: {  	v2 =	vadd.s32 s11, v2;
	_ =	sdelay $0x4  }
0x63: {  	[tilespmem:v2+s9+$0x0] =	vst.idx.add.f32.msk $0xffff, v1  }
0x64: {  	v2 =	vld [tilespmem:s12+$0x10];
	_ =	sdelay $0x4  }
0x65: {  	v2 =	vadd.s32 s11, v2;
	_ =	sdelay $0x4  }
0x66: {  	s14 =	sand.u32 $0xFFF8, s13;
	[tilespmem:v2+s9+$0x0] =	vst.idx.add.f32.msk $0xffff, v1  }
0x67: {  	v2 =	vld [tilespmem:s14+$0x80];
	_ =	sdelay $0x4  }
0x68: {  	v2 =	vadd.s32 s11, v2;
	_ =	sdelay $0x4  }
0x69: {  	[tilespmem:v2+s9+$0x0] =	vst.idx.add.f32.msk $0xffff, v1  }
0x6a: {  	v2 =	vld [tilespmem:s12+$0x30];
	_ =	sdelay $0x4  }
0x6b: {  	v2 =	vadd.s32 s11, v2;
	_ =	sdelay $0x4  }
0x6c: {  	[tilespmem:v2+s9+$0x0] =	vst.idx.add.f32.msk $0xffff, v1  }
0x6d: {  	v2 =	vld [tilespmem:s12+$0x40];
	_ =	sdelay $0x4  }
0x6e: {  	v2 =	vadd.s32 s11, v2;
	_ =	sdelay $0x4  }
0x6f: {  	[tilespmem:v2+s9+$0x0] =	vst.idx.add.f32.msk $0xffff, v1  }
0x70: {  	v2 =	vld [tilespmem:s12+$0x50];
	_ =	sdelay $0x4  }
0x71: {  	v2 =	vadd.s32 s11, v2;
	_ =	sdelay $0x4  }
0x72: {  	[tilespmem:v2+s9+$0x0] =	vst.idx.add.f32.msk $0xffff, v1  }
0x73: {  	v2 =	vld [tilespmem:s12+$0x60];
	_ =	sdelay $0x4  }
0x74: {  	p0 =	sne.s32 s13, $0xC738;
	v2 =	vadd.s32 s11, v2  }
.Ltmp3:
0x75: {  	_ = 	snop;
	(pc) =	sbr.rel @p0 .LBB2_8-.Ltmp3, $2  }
0x76: {  	_ =	sdelay $0x2  }
0x77: {  	s13 =	sadd.s32 $0xC8, s13;
	s12 =	sadd.s32 $0xC8, s12;
	s11 =	sadd.s32 $0x64, s11;
	[tilespmem:v2+s9+$0x0] =	vst.idx.add.f32.msk $0xff, v1  }
0x78: {  	s10 =	sadd.s32 $0x1, s10  }
0x79: {  	p0 =	sne.s32 s10, s7  }
.Ltmp4:
0x7a: {  	_ = 	snop;
	(pc) =	sbr.rel @p0 .LBB2_1-.Ltmp4, $4  }
0x7b: {  	[hbm4b:s6+s2] =	stream.linear.scatter [tilespmem:s9], [sflag:$0x1], $0x6400, $0x38;
	[tilespmem:$0x12C80] =	vst v63  }
0x7c: {  	_ =	swait.ge [sflag:s8], $0x6400  }
0x7d: {  	[sflag:s8] =	ssyncset.done $0x0  }
0x7e: {  	[sflag:s8] =	ssyncadd.s32 $0xFFFF9C00  }
0x7f: {  	_ =	sfence.sel $0x180000  }
0x80: {  	[bflag:$0x0] =	sbarrier.arrive $0xFFFF  }
0x81: {  	p0 =	sne.s32 s1, $0x0;
	_ =	strace $0x90000047  }
0x82: {  	s0 =	sadd.s32 @!p0 $0x100000, s0;
	[bflag:$0x2] =	sbarrier.arrive $0xFFFF  }
0x83: {  	[sflag:s0] =	ssyncadd.tile.s32 @!p0 $0x1;
	_ =	shalt  }
.Lfunc_end2:
_tile_overlayer_lowered:
.L_overlay_start_2:
0x84: {  	(tag) =	ssettag $0x2  }
0x85: {  	s0 =	rddreg [dreg:$0x0];
	s2 =	stileid.u32  }
0x86: {  	s1 =	rddreg [dreg:$0x1];
	p0 =	sne.s32 s2, $0x0  }
0x87: {  	s3 =	rddreg [dreg:$0x2];
	[bflag:$0x3] =	sbarrier.arrive $0xFFFF;
	s2 =	simm.s32 @!p0 $0x1C01  }
0x88: {  	[timem:s3], [sflag:s2] =	dma.local @!p0 [hbm:s0], s1  }
0x89: {  	s0 =	simm.s32 @!p0 $0x1  }
0x8a: {  	_ =	swait.ge @!p0 [sflag:s0], s1  }
0x8b: {  	s1 =	ssub.s32 @!p0 $0x0, s1;
	[sflag:s0] =	ssyncset.done @!p0 $0x0  }
0x8c: {  	[sflag:s0] =	ssyncadd.s32 @!p0 s1  }
0x8d: {  	[bflag:$0x3] =	sbarrier.arrive $0xFFFF  }
0x8e: {  	_ =	shalt  }

</sc_bundles>
